<compile_context>
chip_gen: v7x
topology: tpu7x:2x2x1
jax: 0.10.2.dev20260603
libtpu: 0.0.44.dev20260713+nightly
codegen_flags: <defaults>
</compile_context>

<pallas_src>
import functools

import jax
import jax.numpy as jnp
from jax import lax
from jax.experimental import pallas as pl
from jax.experimental.pallas import tpu as pltpu, tpu_sc as plsc

BATCH = 4096
LOOKAHEAD = 16
INPUT_DIM = 128
FLAT_IN = INPUT_DIM * LOOKAHEAD
LATENT_DIM = 256
NUM_CODES = 8192
OUTPUT_DIM = 1024
COMMITMENT_COST = 0.25

BM_A = 512
BM_C = 1024


_NT = (((1,), (1,)), ((), ()))


def _encode_argmin_body(x_ref, w_ref, b_ref, cb_ref, z_ref, idx_ref, cn_ref,
                        io_ref):
    x = x_ref[...].reshape(BM_A, FLAT_IN)
    z = lax.dot_general(x, w_ref[...], _NT, preferred_element_type=jnp.float32)
    z = z + b_ref[...][None, :]
    z_ref[...] = z
    cb = cb_ref[...]

    @pl.when(pl.program_id(0) == 0)
    def _init_cnorm():
        cn_ref[...] = lax.dot_general(
            jnp.ones((1, LATENT_DIM), jnp.float32), cb * cb, _NT,
            preferred_element_type=jnp.float32)
        io_ref[...] = lax.broadcasted_iota(
            jnp.int32, (1, NUM_CODES), 1).astype(jnp.float32)

    zm2 = z * (-2.0)
    scores2 = lax.dot_general(zm2, cb, _NT, preferred_element_type=jnp.float32)
    zsq = jnp.sum(z * z, axis=1, keepdims=True)
    dist = (zsq + scores2) + cn_ref[...]
    minval = jnp.min(dist, axis=1, keepdims=True)
    masked = jnp.where(dist == minval, io_ref[...], jnp.float32(NUM_CODES))
    idx = jnp.min(masked, axis=1).astype(jnp.int32)
    idx_ref[...] = idx


def _encode_argmin(x3, w_enc, b_enc, cb):
    nblk = BATCH // BM_A
    z, idx3 = pl.pallas_call(
        _encode_argmin_body,
        grid=(nblk,),
        in_specs=[
            pl.BlockSpec((BM_A, LOOKAHEAD, INPUT_DIM), lambda i: (i, 0, 0)),
            pl.BlockSpec((LATENT_DIM, FLAT_IN), lambda i: (0, 0)),
            pl.BlockSpec((LATENT_DIM,), lambda i: (0,)),
            pl.BlockSpec((NUM_CODES, LATENT_DIM), lambda i: (0, 0)),
        ],
        out_specs=[
            pl.BlockSpec((BM_A, LATENT_DIM), lambda i: (i, 0)),
            pl.BlockSpec((BM_A,), lambda i: (i,)),
        ],
        out_shape=[
            jax.ShapeDtypeStruct((BATCH, LATENT_DIM), jnp.float32),
            jax.ShapeDtypeStruct((BATCH,), jnp.int32),
        ],
        scratch_shapes=[pltpu.VMEM((1, NUM_CODES), jnp.float32),
                        pltpu.VMEM((1, NUM_CODES), jnp.float32)],
    )(x3, w_enc, b_enc, cb)
    return z, idx3


@functools.cache
def _make_sc_gather():
    info = plsc.get_sparse_core_info()
    nc, ns = info.num_cores, info.num_subcores
    nw = nc * ns
    b_per_w = BATCH // nw
    mesh = plsc.VectorSubcoreMesh(core_axis_name="c", subcore_axis_name="s")

    @functools.partial(
        pl.kernel,
        mesh=mesh,
        out_type=jax.ShapeDtypeStruct((BATCH, LATENT_DIM), jnp.float32),
        scratch_types=[
            pltpu.VMEM((b_per_w,), jnp.int32),
            pltpu.VMEM((b_per_w, LATENT_DIM), jnp.float32),
            pltpu.SemaphoreType.DMA,
        ],
    )
    def gather_k(table_hbm, idx_hbm, out_hbm, idx_v, rows_v, sem):
        wid = lax.axis_index("s") * nc + lax.axis_index("c")
        base = wid * b_per_w
        pltpu.sync_copy(idx_hbm.at[pl.ds(base, b_per_w)], idx_v)
        pltpu.async_copy(table_hbm.at[idx_v], rows_v, sem).wait()
        pltpu.sync_copy(rows_v, out_hbm.at[pl.ds(base, b_per_w)])

    return gather_k


def _head_body(z_ref, q_ref, wt_ref, b_ref, logits_ref, loss_ref):
    i = pl.program_id(0)
    z = z_ref[...]
    q = q_ref[...]
    diff = q - z
    partial = jnp.sum(diff * diff).reshape(1, 1)

    @pl.when(i == 0)
    def _init():
        loss_ref[...] = jnp.zeros((1, 1), jnp.float32)

    loss_ref[...] += partial

    @pl.when(i == pl.num_programs(0) - 1)
    def _fin():
        m = loss_ref[...] / (BATCH * LATENT_DIM)
        loss_ref[...] = m + COMMITMENT_COST * m

    q_st = z + diff
    y = lax.dot_general(q_st, wt_ref[...], _NT,
                        preferred_element_type=jnp.float32)
    y = y + b_ref[...][None, :]
    logits_ref[...] = jax.nn.softmax(y, axis=-1)


def _head(z, quantized, w_cls, b_cls):
    nblk = BATCH // BM_C
    logits, loss = pl.pallas_call(
        _head_body,
        grid=(nblk,),
        in_specs=[
            pl.BlockSpec((BM_C, LATENT_DIM), lambda i: (i, 0)),
            pl.BlockSpec((BM_C, LATENT_DIM), lambda i: (i, 0)),
            pl.BlockSpec((OUTPUT_DIM, LATENT_DIM), lambda i: (0, 0)),
            pl.BlockSpec((OUTPUT_DIM,), lambda i: (0,)),
        ],
        out_specs=[
            pl.BlockSpec((BM_C, OUTPUT_DIM), lambda i: (i, 0)),
            pl.BlockSpec((1, 1), lambda i: (0, 0)),
        ],
        out_shape=[
            jax.ShapeDtypeStruct((BATCH, OUTPUT_DIM), jnp.float32),
            jax.ShapeDtypeStruct((1, 1), jnp.float32),
        ],
    )(z, quantized, w_cls, b_cls)
    return logits, loss.reshape(())


def kernel(x, W_enc, b_enc, codebook, W_cls, b_cls):
    z, idx = _encode_argmin(x, W_enc, b_enc, codebook)
    quantized = _make_sc_gather()(codebook, idx)
    logits, vq_loss = _head(z, quantized, W_cls, b_cls)
    return logits, vq_loss, idx

# --- scband reference (transcript-rebuilt; emitter-appended) ---
"""Pipeline reference for scband-signal-mlpvq-56684978373198 (READ-ONLY COPY).

The authoritative reference and input builder live on the scoring server;
editing this copy changes nothing except your own understanding.
"""

import jax, jax.numpy as jnp
import numpy as np

BATCH = 4096
LOOKAHEAD = 16
INPUT_DIM = 128
LATENT_DIM = 256
NUM_CODES = 8192
OUTPUT_DIM = 1024
COMMITMENT_COST = 0.25


def setup_inputs(seed: int = 0) -> dict:
    key = jax.random.key(seed)
    k_x, k_we, k_be, k_cb, k_wc = jax.random.split(key, 5)
    x = jax.random.normal(k_x, (BATCH, LOOKAHEAD, INPUT_DIM), dtype=jnp.float32)
    flat_in = INPUT_DIM * LOOKAHEAD
    W_enc = jax.random.normal(k_we, (LATENT_DIM, flat_in), dtype=jnp.float32) * (np.sqrt(2.0) / np.sqrt(flat_in))
    b_enc = jnp.zeros((LATENT_DIM,), dtype=jnp.float32)
    codebook = jax.random.uniform(k_cb, (NUM_CODES, LATENT_DIM), dtype=jnp.float32, minval=-1.0 / NUM_CODES, maxval=1.0 / NUM_CODES)
    W_cls = jax.random.normal(k_wc, (OUTPUT_DIM, LATENT_DIM), dtype=jnp.float32) * (np.sqrt(2.0) / np.sqrt(LATENT_DIM))
    b_cls = jnp.zeros((OUTPUT_DIM,), dtype=jnp.float32)
    return {"x": x, "W_enc": W_enc, "b_enc": b_enc, "codebook": codebook, "W_cls": W_cls, "b_cls": b_cls}


def reference(x, W_enc, b_enc, codebook, W_cls, b_cls):
    bs = x.shape[0]
    x_flat = x.reshape(bs, -1)
    # encoder (dropout is identity in eval mode)
    z_e = x_flat @ W_enc.T + b_enc
    # vector quantizer: squared L2 distances to all codebook vectors
    distances = (jnp.sum(z_e ** 2, axis=1, keepdims=True)
                 - 2.0 * (z_e @ codebook.T)
                 + jnp.sum(codebook ** 2, axis=1))
    encoding_indices = jnp.argmin(distances, axis=1)
    encodings = jax.nn.one_hot(encoding_indices, codebook.shape[0], dtype=z_e.dtype)
    quantized = encodings @ codebook
    e_latent_loss = jnp.mean((jax.lax.stop_gradient(quantized) - z_e) ** 2)
    q_latent_loss = jnp.mean((quantized - jax.lax.stop_gradient(z_e)) ** 2)
    vq_loss = q_latent_loss + COMMITMENT_COST * e_latent_loss
    # straight-through estimator
    quantized_st = z_e + jax.lax.stop_gradient(quantized - z_e)
    logits = jax.nn.softmax(quantized_st @ W_cls.T + b_cls, axis=-1)
    return (logits, vq_loss, encoding_indices)

if __name__ == "__main__":
    import jax
    _d = setup_inputs()
    print(jax.jit(kernel)(*tuple(_d.values())))

</pallas_src>

<mosaic_0001>
#map = affine_map<(d0, d1) -> (0, 0)>
#map1 = affine_map<(d0, d1) -> (0)>
module attributes {stable_mosaic.version = 14 : i64} {
  func.func @gather_k(%arg0: i32, %arg1: i32, %arg2: memref<8192x256xf32, #tpu.memory_space<hbm>>, %arg3: memref<4096xi32, #tpu.memory_space<hbm>>, %arg4: memref<4096x256xf32, #tpu.memory_space<hbm>>, %arg5: memref<128xi32, #tpu.memory_space<vmem>>, %arg6: memref<128x256xf32, #tpu.memory_space<vmem>>, %arg7: memref<!tpu.dma_semaphore, #tpu.memory_space<semaphore_mem>>) attributes {dimension_semantics = [#tpu.dimension_semantics<core_parallel>, #tpu.dimension_semantics<subcore_parallel>], iteration_bounds = array<i64: 2, 16>, scalar_prefetch = 0 : i64, scratch_operands = 3 : i64, tpu.core_type = #tpu.core_type<sc_vector_subcore>, window_params = [{transform_indices = #map}, {transform_indices = #map1}, {transform_indices = #map}]} {
    %mul3A = arith.constant 2 : i32
    %mul3A_0 = arith.muli %arg1, %mul3A : i32
    %add3A = arith.addi %mul3A_0, %arg0 : i32
    %mul3A_1 = arith.constant 128 : i32
    %mul3A_2 = arith.muli %add3A, %mul3A_1 : i32
    "tpu.region"() ({
      %run_scoped3A = tpu.sem_alloc : memref<!tpu.dma_semaphore, #tpu.memory_space<semaphore_mem>>
      %dma_start3A_7 = tpu.memref_slice %arg3[%mul3A_2] : memref<4096xi32, #tpu.memory_space<hbm>> -> memref<128xi32, #tpu.memory_space<hbm>>
      %dma_start3A_8 = tpu.memref_slice %arg3[%mul3A_2] : memref<4096xi32, #tpu.memory_space<hbm>> -> memref<128xi32, #tpu.memory_space<hbm>>
      tpu.enqueue_dma source(%dma_start3A_8 : memref<128xi32, #tpu.memory_space<hbm>>) target(%arg5 : memref<128xi32, #tpu.memory_space<vmem>>) target_semaphore(%run_scoped3A : memref<!tpu.dma_semaphore, #tpu.memory_space<semaphore_mem>>)
      %dma_wait3A_9 = tpu.memref_slice %arg3[%mul3A_2] : memref<4096xi32, #tpu.memory_space<hbm>> -> memref<128xi32, #tpu.memory_space<hbm>>
      %dma_wait3A_10 = tpu.memref_slice %arg3[%mul3A_2] : memref<4096xi32, #tpu.memory_space<hbm>> -> memref<128xi32, #tpu.memory_space<hbm>>
      tpu.wait_dma2 semaphore(%run_scoped3A : memref<!tpu.dma_semaphore, #tpu.memory_space<semaphore_mem>>) src(%dma_wait3A_10 : memref<128xi32, #tpu.memory_space<hbm>>) dst(%arg5 : memref<128xi32, #tpu.memory_space<vmem>>)
      tpu.yield
    }) : () -> ()
    %dma_start3A = arith.constant 0 : i32
    %dma_start3A_3 = arith.constant 0 : i32
    %dma_start3A_4 = tpu.memref_slice %arg2[%dma_start3A, %dma_start3A_3] : memref<8192x256xf32, #tpu.memory_space<hbm>> -> memref<8192x256xf32, #tpu.memory_space<hbm>>
    tpu.enqueue_indirect_dma source(%dma_start3A_4 : memref<8192x256xf32, #tpu.memory_space<hbm>>) target(%arg6 : memref<128x256xf32, #tpu.memory_space<vmem>>) offsets(%arg5 : memref<128xi32, #tpu.memory_space<vmem>>) semaphore(%arg7 : memref<!tpu.dma_semaphore, #tpu.memory_space<semaphore_mem>>)
    %dma_wait3A = arith.constant 0 : i32
    %dma_wait3A_5 = arith.constant 0 : i32
    %dma_wait3A_6 = tpu.memref_slice %arg2[%dma_wait3A, %dma_wait3A_5] : memref<8192x256xf32, #tpu.memory_space<hbm>> -> memref<8192x256xf32, #tpu.memory_space<hbm>>
    tpu.wait_indirect_dma semaphore(%arg7 : memref<!tpu.dma_semaphore, #tpu.memory_space<semaphore_mem>>) src(%dma_wait3A_6 : memref<8192x256xf32, #tpu.memory_space<hbm>>) dst(%arg6 : memref<128x256xf32, #tpu.memory_space<vmem>>)
    "tpu.region"() ({
      %run_scoped3A = tpu.sem_alloc : memref<!tpu.dma_semaphore, #tpu.memory_space<semaphore_mem>>
      %dma_start3A_7 = arith.constant 0 : i32
      %dma_start3A_8 = tpu.memref_slice %arg4[%mul3A_2, %dma_start3A_7] : memref<4096x256xf32, #tpu.memory_space<hbm>> -> memref<128x256xf32, #tpu.memory_space<hbm>>
      %dma_start3A_9 = arith.constant 0 : i32
      %dma_start3A_10 = tpu.memref_slice %arg4[%mul3A_2, %dma_start3A_9] : memref<4096x256xf32, #tpu.memory_space<hbm>> -> memref<128x256xf32, #tpu.memory_space<hbm>>
      tpu.enqueue_dma source(%arg6 : memref<128x256xf32, #tpu.memory_space<vmem>>) target(%dma_start3A_10 : memref<128x256xf32, #tpu.memory_space<hbm>>) target_semaphore(%run_scoped3A : memref<!tpu.dma_semaphore, #tpu.memory_space<semaphore_mem>>)
      %dma_wait3A_11 = arith.constant 0 : i32
      %dma_wait3A_12 = tpu.memref_slice %arg4[%mul3A_2, %dma_wait3A_11] : memref<4096x256xf32, #tpu.memory_space<hbm>> -> memref<128x256xf32, #tpu.memory_space<hbm>>
      %dma_wait3A_13 = arith.constant 0 : i32
      %dma_wait3A_14 = tpu.memref_slice %arg4[%mul3A_2, %dma_wait3A_13] : memref<4096x256xf32, #tpu.memory_space<hbm>> -> memref<128x256xf32, #tpu.memory_space<hbm>>
      tpu.wait_dma2 semaphore(%run_scoped3A : memref<!tpu.dma_semaphore, #tpu.memory_space<semaphore_mem>>) src(%arg6 : memref<128x256xf32, #tpu.memory_space<vmem>>) dst(%dma_wait3A_14 : memref<128x256xf32, #tpu.memory_space<hbm>>)
      tpu.yield
    }) : () -> ()
    return
  }
}

module attributes {stable_mosaic.version = 14 : i64} {
  func.func @_head_body(%arg0: i32, %arg1: memref<1024x256xf32, #tpu.memory_space<vmem>>, %arg2: memref<1024x256xf32, #tpu.memory_space<vmem>>, %arg3: memref<1024x256xf32, #tpu.memory_space<vmem>>, %arg4: memref<1024xf32, #tpu.memory_space<vmem>>, %arg5: memref<1024x1024xf32, #tpu.memory_space<vmem>>, %arg6: memref<1x1xf32, #tpu.memory_space<vmem>>) attributes {dimension_semantics = [#tpu.dimension_semantics<arbitrary>], iteration_bounds = array<i64: 4>, scalar_prefetch = 0 : i64, scratch_operands = 0 : i64, tpu.core_type = #tpu.core_type<tc>, window_params = [{transform_indices = @transform_0, window_bounds = array<i64: 1024, 256>}, {transform_indices = @transform_1, window_bounds = array<i64: 1024, 256>}, {pipeline_mode = #tpu.pipeline_mode<synchronous>, transform_indices = @transform_2, window_bounds = array<i64: 1024, 256>}, {pipeline_mode = #tpu.pipeline_mode<synchronous>, transform_indices = @transform_3, window_bounds = array<i64: 1024>}, {transform_indices = @transform_4, window_bounds = array<i64: 1024, 1024>}, {pipeline_mode = #tpu.pipeline_mode<synchronous>, transform_indices = @transform_5, window_bounds = array<i64: 1, 1>}]} {
    %get3A = arith.constant 0 : index
    %get3A_0 = arith.constant 0 : index
    %get3A_1 = vector.load %arg1[%get3A, %get3A_0] : memref<1024x256xf32, #tpu.memory_space<vmem>>, vector<1024x256xf32>
    %get3A_2 = arith.constant 0 : index
    %get3A_3 = arith.constant 0 : index
    %get3A_4 = vector.load %arg2[%get3A_2, %get3A_3] : memref<1024x256xf32, #tpu.memory_space<vmem>>, vector<1024x256xf32>
    %sub3A = arith.subf %get3A_4, %get3A_1 : vector<1024x256xf32>
    %mul3A = arith.mulf %sub3A, %sub3A : vector<1024x256xf32>
    %reduce_sum3A = vector.shape_cast %mul3A : vector<1024x256xf32> to vector<1x1024x256xf32>
    %reduce_sum3A_5 = arith.constant dense<0.000000e+00> : vector<1xf32>
    %reduce_sum3A_6 = vector.multi_reduction <add>, %reduce_sum3A, %reduce_sum3A_5 [1, 2] : vector<1x1024x256xf32> to vector<1xf32>
    %reduce_sum3A_7 = vector.shape_cast %reduce_sum3A_6 : vector<1xf32> to vector<1x1x1xf32>
    %reduce_sum3A_8 = vector.extract %reduce_sum3A_7[0, 0, 0] : f32 from vector<1x1x1xf32>
    %reshape3A = vector.broadcast %reduce_sum3A_8 : f32 to vector<1x1xf32>
    %eq3A = arith.constant 0 : i32
    %eq3A_9 = arith.cmpi eq, %arg0, %eq3A : i32
    %convert_element_type3A = arith.extui %eq3A_9 : i1 to i32
    %cond3A = arith.constant 0 : i32
    %cond3A_10 = arith.cmpi ne, %convert_element_type3A, %cond3A : i32
    scf.if %cond3A_10 {
      %broadcast_in_dim3A_43 = arith.constant 0.000000e+00 : f32
      %broadcast_in_dim3A_44 = vector.broadcast %broadcast_in_dim3A_43 : f32 to vector<1x1xf32>
      %swap3A_45 = arith.constant 0 : index
      %swap3A_46 = arith.constant 0 : index
      %swap3A_47 = vector.load %arg6[%swap3A_45, %swap3A_46] : memref<1x1xf32, #tpu.memory_space<vmem>>, vector<1x1xf32>
      tpu.vector_store %arg6[%swap3A_45, %swap3A_46], %broadcast_in_dim3A_44 {strides = array<i32>} : memref<1x1xf32, #tpu.memory_space<vmem>>, vector<1x1xf32>,
    } else {
    }
    %get3A_11 = arith.constant 0 : index
    %get3A_12 = arith.constant 0 : index
    %get3A_13 = vector.load %arg6[%get3A_11, %get3A_12] : memref<1x1xf32, #tpu.memory_space<vmem>>, vector<1x1xf32>
    %add3A = arith.addf %get3A_13, %reshape3A : vector<1x1xf32>
    %swap3A = arith.constant 0 : index
    %swap3A_14 = arith.constant 0 : index
    %swap3A_15 = vector.load %arg6[%swap3A, %swap3A_14] : memref<1x1xf32, #tpu.memory_space<vmem>>, vector<1x1xf32>
    tpu.vector_store %arg6[%swap3A, %swap3A_14], %add3A {strides = array<i32>} : memref<1x1xf32, #tpu.memory_space<vmem>>, vector<1x1xf32>,
    %eq3A_16 = arith.constant 3 : i32
    %eq3A_17 = arith.cmpi eq, %arg0, %eq3A_16 : i32
    %convert_element_type3A_18 = arith.extui %eq3A_17 : i1 to i32
    %cond3A_19 = arith.constant 0 : i32
    %cond3A_20 = arith.cmpi ne, %convert_element_type3A_18, %cond3A_19 : i32
    scf.if %cond3A_20 {
      %get3A_43 = arith.constant 0 : index
      %get3A_44 = arith.constant 0 : index
      %get3A_45 = vector.load %arg6[%get3A_43, %get3A_44] : memref<1x1xf32, #tpu.memory_space<vmem>>, vector<1x1xf32>
      %div3A_46 = arith.constant 0x49800000 : f32
      %div3A_47 = vector.broadcast %div3A_46 : f32 to vector<1x1xf32>
      %div3A_48 = arith.divf %get3A_45, %div3A_47 : vector<1x1xf32>
      %mul3A_49 = arith.constant 2.500000e-01 : f32
      %mul3A_50 = vector.broadcast %mul3A_49 : f32 to vector<1x1xf32>
      %mul3A_51 = arith.mulf %mul3A_50, %div3A_48 : vector<1x1xf32>
      %add3A_52 = arith.addf %div3A_48, %mul3A_51 : vector<1x1xf32>
      %swap3A_53 = arith.constant 0 : index
      %swap3A_54 = arith.constant 0 : index
      %swap3A_55 = vector.load %arg6[%swap3A_53, %swap3A_54] : memref<1x1xf32, #tpu.memory_space<vmem>>, vector<1x1xf32>
      tpu.vector_store %arg6[%swap3A_53, %swap3A_54], %add3A_52 {strides = array<i32>} : memref<1x1xf32, #tpu.memory_space<vmem>>, vector<1x1xf32>,
    } else {
    }
    %add3A_21 = arith.addf %get3A_1, %sub3A : vector<1024x256xf32>
    %get3A_22 = arith.constant 0 : index
    %get3A_23 = arith.constant 0 : index
    %get3A_24 = vector.load %arg3[%get3A_22, %get3A_23] : memref<1024x256xf32, #tpu.memory_space<vmem>>, vector<1024x256xf32>
    %dot_general3A = arith.constant dense<0.000000e+00> : vector<1024x1024xf32>
    %dot_general3A_25 = tpu.matmul %add3A_21, %get3A_24, %dot_general3A {dimension_numbers = #tpu.dot_dimension_numbers<[1], [1], [0], [0], [0, 0, 1, 0], [], []>, transpose_lhs_hint = false} : vector<1024x256xf32>, vector<1024x256xf32>, vector<1024x1024xf32> -> vector<1024x1024xf32>
    %get3A_26 = arith.constant 0 : index
    %get3A_27 = vector.load %arg4[%get3A_26] : memref<1024xf32, #tpu.memory_space<vmem>>, vector<1024xf32>
    %broadcast_in_dim3A = vector.shape_cast %get3A_27 : vector<1024xf32> to vector<1x1024xf32>
    %add3A_28 = vector.broadcast %broadcast_in_dim3A : vector<1x1024xf32> to vector<1024x1024xf32>
    %add3A_29 = arith.addf %dot_general3A_25, %add3A_28 : vector<1024x1024xf32>
    %reduce_max3A = arith.constant dense<0xFF800000> : vector<1024xf32>
    %reduce_max3A_30 = vector.multi_reduction <maximumf>, %add3A_29, %reduce_max3A [1] : vector<1024x1024xf32> to vector<1024xf32>
    %max3A = arith.constant 0xFF800000 : f32
    %max3A_31 = vector.broadcast %max3A : f32 to vector<1024xf32>
    %max3A_32 = arith.maximumf %max3A_31, %reduce_max3A_30 : vector<1024xf32>
    %broadcast_in_dim3A_33 = vector.shape_cast %max3A_32 : vector<1024xf32> to vector<1024x1xf32>
    %sub3A_34 = vector.broadcast %broadcast_in_dim3A_33 : vector<1024x1xf32> to vector<1024x1024xf32>
    %sub3A_35 = arith.subf %add3A_29, %sub3A_34 : vector<1024x1024xf32>
    %exp3A = math.exp %sub3A_35 : vector<1024x1024xf32>
    %reduce_sum3A_36 = arith.constant dense<0.000000e+00> : vector<1024xf32>
    %reduce_sum3A_37 = vector.multi_reduction <add>, %exp3A, %reduce_sum3A_36 [1] : vector<1024x1024xf32> to vector<1024xf32>
    %broadcast_in_dim3A_38 = vector.shape_cast %reduce_sum3A_37 : vector<1024xf32> to vector<1024x1xf32>
    %div3A = vector.broadcast %broadcast_in_dim3A_38 : vector<1024x1xf32> to vector<1024x1024xf32>
    %div3A_39 = arith.divf %exp3A, %div3A : vector<1024x1024xf32>
    %swap3A_40 = arith.constant 0 : index
    %swap3A_41 = arith.constant 0 : index
    %swap3A_42 = vector.load %arg5[%swap3A_40, %swap3A_41] : memref<1024x1024xf32, #tpu.memory_space<vmem>>, vector<1024x1024xf32>
    tpu.vector_store %arg5[%swap3A_40, %swap3A_41], %div3A_39 {strides = array<i32>} : memref<1024x1024xf32, #tpu.memory_space<vmem>>, vector<1024x1024xf32>,
    return
  }
  func.func @transform_0(%arg0: i32) -> (i32, i32) {
    %c0_i32 = arith.constant 0 : i32
    %c0_i32_0 = arith.constant 0 : i32
    return %arg0, %c0_i32 : i32, i32
  }
  func.func @transform_1(%arg0: i32) -> (i32, i32) {
    %c0_i32 = arith.constant 0 : i32
    %c0_i32_0 = arith.constant 0 : i32
    return %arg0, %c0_i32 : i32, i32
  }
  func.func @transform_2(%arg0: i32) -> (i32, i32) {
    %c0_i32 = arith.constant 0 : i32
    %c0_i32_0 = arith.constant 0 : i32
    %c0_i32_1 = arith.constant 0 : i32
    return %c0_i32, %c0_i32_0 : i32, i32
  }
  func.func @transform_3(%arg0: i32) -> i32 {
    %c0_i32 = arith.constant 0 : i32
    %c0_i32_0 = arith.constant 0 : i32
    return %c0_i32 : i32
  }
  func.func @transform_4(%arg0: i32) -> (i32, i32) {
    %c0_i32 = arith.constant 0 : i32
    %c0_i32_0 = arith.constant 0 : i32
    return %arg0, %c0_i32 : i32, i32
  }
  func.func @transform_5(%arg0: i32) -> (i32, i32) {
    %c0_i32 = arith.constant 0 : i32
    %c0_i32_0 = arith.constant 0 : i32
    %c0_i32_1 = arith.constant 0 : i32
    return %c0_i32, %c0_i32_0 : i32, i32
  }
}

module attributes {stable_mosaic.version = 14 : i64} {
  func.func @_encode_argmin_body(%arg0: i32, %arg1: memref<512x16x128xf32, #tpu.memory_space<vmem>>, %arg2: memref<256x2048xf32, #tpu.memory_space<vmem>>, %arg3: memref<256xf32, #tpu.memory_space<vmem>>, %arg4: memref<8192x256xf32, #tpu.memory_space<vmem>>, %arg5: memref<512x256xf32, #tpu.memory_space<vmem>>, %arg6: memref<512xi32, #tpu.memory_space<vmem>>, %arg7: memref<1x8192xf32, #tpu.memory_space<vmem>>, %arg8: memref<1x8192xf32, #tpu.memory_space<vmem>>) attributes {dimension_semantics = [#tpu.dimension_semantics<arbitrary>], iteration_bounds = array<i64: 8>, scalar_prefetch = 0 : i64, scratch_operands = 2 : i64, tpu.core_type = #tpu.core_type<tc>, window_params = [{transform_indices = @transform_0, window_bounds = array<i64: 512, 16, 128>}, {pipeline_mode = #tpu.pipeline_mode<synchronous>, transform_indices = @transform_1, window_bounds = array<i64: 256, 2048>}, {pipeline_mode = #tpu.pipeline_mode<synchronous>, transform_indices = @transform_2, window_bounds = array<i64: 256>}, {pipeline_mode = #tpu.pipeline_mode<synchronous>, transform_indices = @transform_3, window_bounds = array<i64: 8192, 256>}, {transform_indices = @transform_4, window_bounds = array<i64: 512, 256>}, {transform_indices = @transform_5, window_bounds = array<i64: 512>}]} {
    %get3A = arith.constant 0 : index
    %get3A_0 = arith.constant 0 : index
    %get3A_1 = arith.constant 0 : index
    %get3A_2 = vector.load %arg1[%get3A, %get3A_0, %get3A_1] : memref<512x16x128xf32, #tpu.memory_space<vmem>>, vector<512x16x128xf32>
    %reshape3A = vector.shape_cast %get3A_2 : vector<512x16x128xf32> to vector<512x2048xf32>
    %get3A_3 = arith.constant 0 : index
    %get3A_4 = arith.constant 0 : index
    %get3A_5 = vector.load %arg2[%get3A_3, %get3A_4] : memref<256x2048xf32, #tpu.memory_space<vmem>>, vector<256x2048xf32>
    %dot_general3A = arith.constant dense<0.000000e+00> : vector<512x256xf32>
    %dot_general3A_6 = tpu.matmul %reshape3A, %get3A_5, %dot_general3A {dimension_numbers = #tpu.dot_dimension_numbers<[1], [1], [0], [0], [0, 0, 1, 0], [], []>, transpose_lhs_hint = false} : vector<512x2048xf32>, vector<256x2048xf32>, vector<512x256xf32> -> vector<512x256xf32>
    %get3A_7 = arith.constant 0 : index
    %get3A_8 = vector.load %arg3[%get3A_7] : memref<256xf32, #tpu.memory_space<vmem>>, vector<256xf32>
    %broadcast_in_dim3A = vector.shape_cast %get3A_8 : vector<256xf32> to vector<1x256xf32>
    %add3A = vector.broadcast %broadcast_in_dim3A : vector<1x256xf32> to vector<512x256xf32>
    %add3A_9 = arith.addf %dot_general3A_6, %add3A : vector<512x256xf32>
    %swap3A = arith.constant 0 : index
    %swap3A_10 = arith.constant 0 : index
    %swap3A_11 = vector.load %arg5[%swap3A, %swap3A_10] : memref<512x256xf32, #tpu.memory_space<vmem>>, vector<512x256xf32>
    tpu.vector_store %arg5[%swap3A, %swap3A_10], %add3A_9 {strides = array<i32>} : memref<512x256xf32, #tpu.memory_space<vmem>>, vector<512x256xf32>,
    %get3A_12 = arith.constant 0 : index
    %get3A_13 = arith.constant 0 : index
    %get3A_14 = vector.load %arg4[%get3A_12, %get3A_13] : memref<8192x256xf32, #tpu.memory_space<vmem>>, vector<8192x256xf32>
    %eq3A = arith.constant 0 : i32
    %eq3A_15 = arith.cmpi eq, %arg0, %eq3A : i32
    %convert_element_type3A = arith.extui %eq3A_15 : i1 to i32
    %cond3A = arith.constant 0 : i32
    %cond3A_16 = arith.cmpi ne, %convert_element_type3A, %cond3A : i32
    scf.if %cond3A_16 {
      %broadcast_in_dim3A_46 = arith.constant 1.000000e+00 : f32
      %broadcast_in_dim3A_47 = vector.broadcast %broadcast_in_dim3A_46 : f32 to vector<1x256xf32>
      %mul3A_48 = arith.mulf %get3A_14, %get3A_14 : vector<8192x256xf32>
      %dot_general3A_49 = arith.constant dense<0.000000e+00> : vector<1x8192xf32>
      %dot_general3A_50 = tpu.matmul %broadcast_in_dim3A_47, %mul3A_48, %dot_general3A_49 {dimension_numbers = #tpu.dot_dimension_numbers<[1], [1], [0], [0], [0, 0, 1, 0], [], []>, transpose_lhs_hint = false} : vector<1x256xf32>, vector<8192x256xf32>, vector<1x8192xf32> -> vector<1x8192xf32>
      %swap3A_51 = arith.constant 0 : index
      %swap3A_52 = arith.constant 0 : index
      %swap3A_53 = vector.load %arg7[%swap3A_51, %swap3A_52] : memref<1x8192xf32, #tpu.memory_space<vmem>>, vector<1x8192xf32>
      tpu.vector_store %arg7[%swap3A_51, %swap3A_52], %dot_general3A_50 {strides = array<i32>} : memref<1x8192xf32, #tpu.memory_space<vmem>>, vector<1x8192xf32>,
      %iota3A = tpu.iota {dimensions = array<i32: 1>} : vector<1x8192xi32>
      %convert_element_type3A_54 = arith.sitofp %iota3A : vector<1x8192xi32> to vector<1x8192xf32>
      %swap3A_55 = arith.constant 0 : index
      %swap3A_56 = arith.constant 0 : index
      %swap3A_57 = vector.load %arg8[%swap3A_55, %swap3A_56] : memref<1x8192xf32, #tpu.memory_space<vmem>>, vector<1x8192xf32>
      tpu.vector_store %arg8[%swap3A_55, %swap3A_56], %convert_element_type3A_54 {strides = array<i32>} : memref<1x8192xf32, #tpu.memory_space<vmem>>, vector<1x8192xf32>,
    } else {
    }
    %mul3A = arith.constant -2.000000e+00 : f32
    %mul3A_17 = vector.broadcast %mul3A : f32 to vector<512x256xf32>
    %mul3A_18 = arith.mulf %add3A_9, %mul3A_17 : vector<512x256xf32>
    %dot_general3A_19 = arith.constant dense<0.000000e+00> : vector<512x8192xf32>
    %dot_general3A_20 = tpu.matmul %mul3A_18, %get3A_14, %dot_general3A_19 {dimension_numbers = #tpu.dot_dimension_numbers<[1], [1], [0], [0], [0, 0, 1, 0], [], []>, transpose_lhs_hint = false} : vector<512x256xf32>, vector<8192x256xf32>, vector<512x8192xf32> -> vector<512x8192xf32>
    %mul3A_21 = arith.mulf %add3A_9, %add3A_9 : vector<512x256xf32>
    %reduce_sum3A = arith.constant dense<0.000000e+00> : vector<512xf32>
    %reduce_sum3A_22 = vector.multi_reduction <add>, %mul3A_21, %reduce_sum3A [1] : vector<512x256xf32> to vector<512xf32>
    %broadcast_in_dim3A_23 = vector.shape_cast %reduce_sum3A_22 : vector<512xf32> to vector<512x1xf32>
    %add3A_24 = vector.broadcast %broadcast_in_dim3A_23 : vector<512x1xf32> to vector<512x8192xf32>
    %add3A_25 = arith.addf %add3A_24, %dot_general3A_20 : vector<512x8192xf32>
    %get3A_26 = arith.constant 0 : index
    %get3A_27 = arith.constant 0 : index
    %get3A_28 = vector.load %arg7[%get3A_26, %get3A_27] : memref<1x8192xf32, #tpu.memory_space<vmem>>, vector<1x8192xf32>
    %add3A_29 = vector.broadcast %get3A_28 : vector<1x8192xf32> to vector<512x8192xf32>
    %add3A_30 = arith.addf %add3A_25, %add3A_29 : vector<512x8192xf32>
    %reduce_min3A = arith.constant dense<0x7F800000> : vector<512xf32>
    %reduce_min3A_31 = vector.multi_reduction <minimumf>, %add3A_30, %reduce_min3A [1] : vector<512x8192xf32> to vector<512xf32>
    %broadcast_in_dim3A_32 = vector.shape_cast %reduce_min3A_31 : vector<512xf32> to vector<512x1xf32>
    %eq3A_33 = vector.broadcast %broadcast_in_dim3A_32 : vector<512x1xf32> to vector<512x8192xf32>
    %eq3A_34 = arith.cmpf oeq, %add3A_30, %eq3A_33 : vector<512x8192xf32>
    %get3A_35 = arith.constant 0 : index
    %get3A_36 = arith.constant 0 : index
    %get3A_37 = vector.load %arg8[%get3A_35, %get3A_36] : memref<1x8192xf32, #tpu.memory_space<vmem>>, vector<1x8192xf32>
    %jit3A = arith.constant 8.192000e+03 : f32
    %broadcast_in_dim3A_38 = vector.shape_cast %get3A_37 : vector<1x8192xf32> to vector<1x8192xf32>
    %broadcast_in_dim3A_39 = vector.broadcast %broadcast_in_dim3A_38 : vector<1x8192xf32> to vector<512x8192xf32>
    %broadcast_in_dim3A_40 = vector.broadcast %jit3A : f32 to vector<512x8192xf32>
    %select_n3A = arith.select %eq3A_34, %broadcast_in_dim3A_39, %broadcast_in_dim3A_40 : vector<512x8192xi1>, vector<512x8192xf32>
    %reduce_min3A_41 = arith.constant dense<0x7F800000> : vector<512xf32>
    %reduce_min3A_42 = vector.multi_reduction <minimumf>, %select_n3A, %reduce_min3A_41 [1] : vector<512x8192xf32> to vector<512xf32>
    %convert_element_type3A_43 = arith.fptosi %reduce_min3A_42 : vector<512xf32> to vector<512xi32>
    %swap3A_44 = arith.constant 0 : index
    %swap3A_45 = vector.load %arg6[%swap3A_44] : memref<512xi32, #tpu.memory_space<vmem>>, vector<512xi32>
    tpu.vector_store %arg6[%swap3A_44], %convert_element_type3A_43 {strides = array<i32>} : memref<512xi32, #tpu.memory_space<vmem>>, vector<512xi32>,
    return
  }
  func.func @transform_0(%arg0: i32) -> (i32, i32, i32) {
    %c0_i32 = arith.constant 0 : i32
    %c0_i32_0 = arith.constant 0 : i32
    %c0_i32_1 = arith.constant 0 : i32
    return %arg0, %c0_i32, %c0_i32_0 : i32, i32, i32
  }
  func.func @transform_1(%arg0: i32) -> (i32, i32) {
    %c0_i32 = arith.constant 0 : i32
    %c0_i32_0 = arith.constant 0 : i32
    %c0_i32_1 = arith.constant 0 : i32
    return %c0_i32, %c0_i32_0 : i32, i32
  }
  func.func @transform_2(%arg0: i32) -> i32 {
    %c0_i32 = arith.constant 0 : i32
    %c0_i32_0 = arith.constant 0 : i32
    return %c0_i32 : i32
  }
  func.func @transform_3(%arg0: i32) -> (i32, i32) {
    %c0_i32 = arith.constant 0 : i32
    %c0_i32_0 = arith.constant 0 : i32
    %c0_i32_1 = arith.constant 0 : i32
    return %c0_i32, %c0_i32_0 : i32, i32
  }
  func.func @transform_4(%arg0: i32) -> (i32, i32) {
    %c0_i32 = arith.constant 0 : i32
    %c0_i32_0 = arith.constant 0 : i32
    return %arg0, %c0_i32 : i32, i32
  }
  func.func @transform_5(%arg0: i32) -> i32 {
    %c0_i32 = arith.constant 0 : i32
    return %arg0 : i32
  }
}

</mosaic_0001>

<sc_bundles>
// kernel: kernel.5.cloned.1.call-start
scs
__scs_entry_jumppad:
0x0: {  	(pc) =	sbr.rel $0x88, $3  }
0x1: {  	(tag) =	ssettag $0x0;
	lr =	simm.s32 $0x1  }
0x2: {  	[smem:$0x3F9B] =	sst lr;
	_ =	strace $0xD0000000  }
0x3: {  	_ = 	snop  }
0x4: {  	_ = 	snop  }
0x5: {  	_ = 	snop  }
0x6: {  	_ = 	snop  }
0x7: {  	_ = 	snop  }
__scs_overlays_trampoline_lowered:
0x8: {  	[smem:$0x3FAA] =	sst s0  }
0x9: {  	[smem:$0x3FAB] =	sst s1  }
0xa: {  	[smem:$0x3FAC] =	sst s2  }
0xb: {  	[smem:$0x3FAD] =	sst s3  }
0xc: {  	[smem:$0x3FAE] =	sst s4  }
0xd: {  	[smem:$0x3FAF] =	sst s5  }
0xe: {  	[smem:$0x3FB0] =	sst s6  }
0xf: {  	[smem:$0x3FB1] =	sst s7  }
0x10: {  	[smem:$0x3FB2] =	sst s8  }
0x11: {  	[smem:$0x3FB3] =	sst s9;
	s0 =	simm.s32 @!p0 $0x0  }
0x12: {  	s1 =	sld [smem:$0x3F99];
	s0 =	simm.s32 @p0 $0x1  }
0x13: {  	[smem:$0x3FB4] =	sst s0;
	s0 =	simm.s32 @!p1 $0x0  }
0x14: {  	s2 =	sld [smem:$0x3F98];
	s0 =	simm.s32 @p1 $0x1  }
0x15: {  	[smem:$0x3FB5] =	sst s0;
	s0 =	simm.s32 @!p2 $0x0  }
0x16: {  	s3 =	sld [smem:$0x3FDB];
	s0 =	simm.s32 @p2 $0x1  }
0x17: {  	s4 =	simm.s32 $0x1BF5;
	[smem:$0x3FB7] =	sst s0  }
0x18: {  	s0 =	sld [smem:$0x3F9A];
	_ =	swait.ge [sflag:s4], $0x0  }
0x19: {  	s7 =	sld [smem:$0x3F9B]  }
0x1a: {  	s8 =	sadd.s32 $0xFFFFE003, lr  }
0x1b: {  	s9 =	sadd.s32 $0xFFFFFEF7, lr;
	s5 =	simm.s32 $0xFFFFFFFF;
	p2 =	slt.u32 s8, $0xFFFFF086  }
0x1c: {  	p1 =	slt.u32 s9, $0xF7A;
	s5 =	simm.s32 @!p2 $0x0  }
0x1d: {  	s5 =	simm.s32 @p1 $0x1;
	p0 =	seq.s32 s7, s2  }
0x1e: {  	s7 =	smul.u32 @!p0 $0xF7A, s2;
	p2 =	seq.s32 @!p0 s5, $0x0  }
0x1f: {  	s9 =	smul.u32 $0xF7A, s1;
	s8 =	simm.s32 @!p0 $0x1BF5;
	p2 =	por !p2, p0  }
0x20: {  	[sflag:s8] =	ssyncset.s32 @!p0 $0xFFFFF086;
	s6 =	sadd.s32 @!p0 s3, s7;
	s7 =	simm.s32 @!p0 $0x108  }
0x21: {  	s3 =	sadd.s32 s3, s9;
	s6 =	sadd.s32 @!p0 $0x88, s6;
	s7 =	simm.s32 @p2 $0x1082  }
0x22: {  	[simem:s7], [sflag:s8] =	dma.local @!p0 [hbm:s6], $0xF7A  }
0x23: {  	s9 =	sor.u32 $0xD0000000, s2;
	s6 =	simm.s32 $0x108;
	_ =	swait.ge @!p0 [sflag:s8], $0x0  }
0x24: {  	s3 =	sadd.s32 $0x88, s3;
	s6 =	simm.s32 @!p1 $0x1082;
	[sflag:s4] =	ssyncset.s32 $0xFFFFF086  }
0x25: {  	[simem:s6], [sflag:s4] =	dma.local [hbm:s3], $0xF7A  }
0x26: {  	[smem:$0x3F9B] =	sst s1;
	(tag) =	ssettag s2;
	_ =	strace s9  }
0x27: {  	s1 =	sld [smem:$0x3FAB]  }
0x28: {  	s2 =	sld [smem:$0x3FAC]  }
0x29: {  	s4 =	sld [smem:$0x3FAE]  }
0x2a: {  	p0 =	seq.s32 s5, $0x0;
	s5 =	sld [smem:$0x3FAF]  }
0x2b: {  	s6 =	sld [smem:$0x3FB0]  }
0x2c: {  	s7 =	sld [smem:$0x3FB1]  }
0x2d: {  	s3 =	simm.s32 $0x108;
	s8 =	sld [smem:$0x3FB2]  }
0x2e: {  	s3 =	simm.s32 @!p0 $0x1082;
	s9 =	sld [smem:$0x3FB3]  }
0x2f: {  	lr =	sadd.s32 s0, s3;
	s0 =	sld [smem:$0x3FAA]  }
0x30: {  	s3 =	sld [smem:$0x3FAD]  }
0x31: {  	[smem:$0x3FB6] =	sst s10  }
0x32: {  	s10 =	sld [smem:$0x3FB4];
	_ =	sdelay $0x3  }
0x33: {  	p0 =	seq.s32 s10, $0x1;
	s10 =	sld [smem:$0x3FB6];
	_ =	sdelay $0x3  }
0x34: {  	[smem:$0x3FB6] =	sst s10  }
0x35: {  	s10 =	sld [smem:$0x3FB5];
	_ =	sdelay $0x3  }
0x36: {  	p1 =	seq.s32 s10, $0x1;
	s10 =	sld [smem:$0x3FB6];
	_ =	sdelay $0x3  }
0x37: {  	[smem:$0x3FB6] =	sst s10  }
0x38: {  	s10 =	sld [smem:$0x3FB7]  }
0x39: {  	_ = 	snop;
	(pc) =	sbr.ind lr, $3  }
0x3a: {  	_ = 	snop  }
0x3b: {  	_ = 	snop  }
0x3c: {  	p2 =	seq.s32 s10, $0x1;
	s10 =	sld [smem:$0x3FB6]  }
0x3d: {  	_ =	shalt  }
0x3e: {  	_ =	shalt  }
0x3f: {  	_ =	shalt  }
0x40: {  	_ =	shalt  }
0x41: {  	_ =	shalt  }
0x42: {  	_ =	shalt  }
0x43: {  	_ =	shalt  }
0x44: {  	_ =	shalt  }
0x45: {  	_ =	shalt  }
0x46: {  	_ =	shalt  }
0x47: {  	_ =	shalt  }
0x48: {  	_ =	shalt  }
0x49: {  	_ =	shalt  }
0x4a: {  	_ =	shalt  }
0x4b: {  	_ =	shalt  }
0x4c: {  	_ =	shalt  }
0x4d: {  	_ =	shalt  }
0x4e: {  	_ =	shalt  }
0x4f: {  	_ =	shalt  }
0x50: {  	_ =	shalt  }
0x51: {  	_ =	shalt  }
0x52: {  	_ =	shalt  }
0x53: {  	_ =	shalt  }
0x54: {  	_ =	shalt  }
0x55: {  	_ =	shalt  }
0x56: {  	_ =	shalt  }
0x57: {  	_ =	shalt  }
0x58: {  	_ =	shalt  }
0x59: {  	_ =	shalt  }
0x5a: {  	_ =	shalt  }
0x5b: {  	_ =	shalt  }
0x5c: {  	_ =	shalt  }
0x5d: {  	_ =	shalt  }
0x5e: {  	_ =	shalt  }
0x5f: {  	_ =	shalt  }
0x60: {  	_ =	shalt  }
0x61: {  	_ =	shalt  }
0x62: {  	_ =	shalt  }
0x63: {  	_ =	shalt  }
0x64: {  	_ =	shalt  }
0x65: {  	_ =	shalt  }
0x66: {  	_ =	shalt  }
0x67: {  	_ =	shalt  }
0x68: {  	_ =	shalt  }
0x69: {  	_ =	shalt  }
0x6a: {  	_ =	shalt  }
0x6b: {  	_ =	shalt  }
0x6c: {  	_ =	shalt  }
0x6d: {  	_ =	shalt  }
0x6e: {  	_ =	shalt  }
0x6f: {  	_ =	shalt  }
0x70: {  	_ =	shalt  }
0x71: {  	_ =	shalt  }
0x72: {  	_ =	shalt  }
0x73: {  	_ =	shalt  }
0x74: {  	_ =	shalt  }
0x75: {  	_ =	shalt  }
0x76: {  	_ =	shalt  }
0x77: {  	_ =	shalt  }
0x78: {  	_ =	shalt  }
0x79: {  	_ =	shalt  }
0x7a: {  	_ =	shalt  }
0x7b: {  	_ =	shalt  }
0x7c: {  	_ =	shalt  }
0x7d: {  	_ =	shalt  }
0x7e: {  	_ =	shalt  }
0x7f: {  	_ =	shalt  }
0x80: {  	_ =	shalt  }
0x81: {  	_ =	shalt  }
0x82: {  	_ =	shalt  }
0x83: {  	_ =	shalt  }
0x84: {  	_ =	shalt  }
0x85: {  	_ =	shalt  }
0x86: {  	_ =	shalt  }
0x87: {  	_ =	shalt  }
.Lfunc_end0:
.L_simem_size_0:
called_computation_lowered:
.L_overlay_start_0:
0x88: {  	s2 =	sld [smem:$0x3FD9]  }
0x89: {  	s3 =	sld [smem:$0x3FFE];
	_ =	sdelay $0x1  }
0x8a: {  	s1 =	srdreg.scid  }
0x8b: {  	s0 =	sand.u32 $0x1, s1  }
0x8c: {  	s15 =	sshll.u32 s0, $0xA;
	s2 =	sadd.s32 s3, s2  }
0x8d: {  	s2 =	sadd.s32 s2, s15  }
0x8e: {  	[smem:$0x3FC2] =	sst s2  }
0x8f: {  	_ = 	snop  }
0x90: {  	s2 =	sld [smem:$0x3FD0];
	_ =	sdelay $0x2  }
0x91: {  	s4 =	simm.s32 $0xA;
	s5 =	simm.s32 $0x10;
	s16 =	sld [smem:$0x3FC6]  }
0x92: {  	[smem:s5], [sflag:s4] =	dma.local [hbm:s2], $0x1  }
0x93: {  	_ =	swait.eq [sflag:s4], $0x1  }
0x94: {  	[sflag:s4] =	ssyncset.done $0x0  }
0x95: {  	s17 =	sld [smem:$0x10];
	[sflag:s4] =	ssyncadd.s32 $0xFFFFFFFF  }
0x96: {  	s18 =	sld [smem:$0x12];
	(tm) =	ssettm $0x1  }
0x97: {  	s19 =	sld [smem:$0x3FFB];
	_ =	sdelay $0x3  }
0x98: {  	_ =	strace s19  }
0x99: {  	s5 =	sld [smem:$0x3FFC];
	_ =	sdelay $0x3  }
0x9a: {  	_ =	strace s5  }
0x9b: {  	s5 =	sld [smem:$0x3FFD];
	_ =	sdelay $0x3  }
0x9c: {  	_ =	strace s5  }
0x9d: {  	_ =	strace $0x8FFFFFFF  }
0x9e: {  	s20 =	sld [smem:$0x3FDB];
	_ =	sdelay $0x1  }
0x9f: {  	s6 =	simm.s32 $_scs_section_size  }
0xa0: {  	s7 =	simm.s32 $_size__tile_overlayer_lowered;
	s8 =	simm.s32 $_tile_overlayer_lowered  }
0xa1: {  	s23 =	simm.s32 $0x1BFF;
	s22 =	sshll.u32 s8, $0x1;
	s5 =	sadd.s32 s6, s20  }
0xa2: {  	s9 =	simm.s32 $0x0;
	s21 =	sshll.u32 s7, $0x1;
	s7 =	sadd.s32 s22, s5  }
0xa3: {  	[timem:s9], [sflag:s23] =	dma.local [hbm:s7], s21  }
0xa4: {  	_ =	swait.ge [sflag:s23], s21  }
0xa5: {  	s6 =	ssub.s32 $0x0, s21;
	[sflag:s23] =	ssyncset.done $0x0  }
0xa6: {  	[sflag:s23] =	ssyncadd.s32 s6;
	_ =	sdelay $0x1  }
0xa7: {  	s24 =	simm.s32 $0x1B8B  }
0xa8: {  	_ =	swait.ge [sflag:s24], $0x1  }
0xa9: {  	[sflag:s24] =	ssyncset.done $0x0  }
0xaa: {  	s25 =	simm.s32 $0x1B8E;
	[sflag:s24] =	ssyncadd.s32 $0xFFFFFFFF  }
0xab: {  	s26 =	simm.s32 $execute0_lowered;
	[smem:$0x3FD2] =	sst s25  }
0xac: {  	s6 =	sshll.u32 s26, $0x1;
	_ =	strace $0x80000046;
	[dreg:$0x1] =	wrdreg $0xFFFFFFFF  }
0xad: {  	s28 =	simm.s32 $_size_execute0_lowered;
	s5 =	sadd.s32 s5, s6;
	[dreg:$0x0] =	wrdreg $0x0  }
0xae: {  	s6 =	sshll.u32 s28, $0x1;
	[dreg:$0x2] =	wrdreg s5  }
0xaf: {  	[dreg:$0x3] =	wrdreg s6  }
0xb0: {  	[dreg:$0x4] =	wrdreg $0xC0  }
0xb1: {  	_ =	task [dreg:s9], $0x5FFFF  }
0xb2: {  	[dreg:$0x1] =	wrdreg $0xFFFFFFFF  }
0xb3: {  	[dreg:$0x0] =	wrdreg $0x60  }
0xb4: {  	[dreg:$0x2] =	wrdreg s16  }
0xb5: {  	[dreg:$0x3] =	wrdreg s18  }
0xb6: {  	[dreg:$0x4] =	wrdreg s17  }
0xb7: {  	[dreg:$0x5] =	wrdreg $0x9  }
0xb8: {  	_ =	task.clear_ibuf [dreg:s9], $0x6FFFF;
	_ =	strace $0x90000046  }
0xb9: {  	s29 =	simm.s32 $0x9;
	_ =	strace $0x80000048  }
0xba: {  	_ =	swait.ge [sflag:s29], $0x1  }
0xbb: {  	[sflag:s29] =	ssyncadd.s32 $0xFFFFFFFF  }
0xbc: {  	_ =	strace $0x90000048  }
0xbd: {  	_ =	sfence  }
0xbe: {  	s30 =	sld [smem:$0x0];
	_ =	sdelay $0x2  }
0xbf: {  	s31 =	sshll.u32 s1, $0xD;
	s1 =	sshrl.u32 s1, $0x2  }
0xc0: {  	s3 =	sand.u32 $0x4000, s31;
	s1 =	sadd.s32 s1, s30  }
0xc1: {  	s0 =	sor.u32 s3, s0;
	s1 =	sshll.u32 s1, $0x11  }
0xc2: {  	s0 =	sor.u32 s1, s0  }
0xc3: {  	s0 =	sadd.s32 $0x8F2B, s0  }
0xc4: {  	[sflag:s0] =	ssyncadd.remote.s32 $0x1  }
0xc5: {  	_ =	sfence.sel $0xFFFF  }
0xc6: {  	[dreg:$0x0] =	wrdreg $0xFFFFFFFF;
	(pc) =	sbr.abs _section_cstart, $3  }
0xc7: {  	[dreg:$0x1] =	wrdreg $0xFFFFFFFF  }
0xc8: {  	_ =	task.clear_ibuf [dreg:s9], $0x2FFFF;
	_ =	strace $0x9FFFFFFF  }
0xc9: {  	(tm) =	ssettm $0x7FFFFFFF  }
tec
execute0_lowered:
.L_overlay_start_1:
0x0: {  	(tag) =	ssettag $0x1  }
0x1: {  	s1 =	rddreg [dreg:$0x0]  }
0x2: {  	s4 =	rddreg [dreg:$0x1]  }
0x3: {  	s5 =	rddreg [dreg:$0x2]  }
0x4: {  	s0 =	rddreg [dreg:$0x3];
	s3 =	simm.s32 $0x0;
	s6 =	srdreg.scid  }
0x5: {  	s2 =	stileid.u32;
	s10 =	simm.s32 $0x1080;
	s11 =	simm.s32 $0x1880  }
0x6: {  	s12 =	simm.s32 $0x2080;
	s13 =	simm.s32 $0x2880;
	s14 =	simm.s32 $0x3080  }
0x7: {  	s15 =	simm.s32 $0x3880;
	s16 =	simm.s32 $0x4080;
	s17 =	simm.s32 $0x4880  }
0x8: {  	s18 =	simm.s32 $0x5080;
	s19 =	simm.s32 $0x5880;
	s20 =	simm.s32 $0x6080  }
0x9: {  	s21 =	simm.s32 $0x6880;
	s22 =	simm.s32 $0x7080;
	s23 =	simm.s32 $0x7880  }
0xa: {  	s24 =	simm.s32 $0x1;
	[smem:$0x7FF] =	sst s3;
	s6 =	sand.u32 $0x1, s6  }
0xb: {  	s8 =	sshll.u32 s2, $0x8;
	s7 =	ssub.s32 $0x2, s6;
	s6 =	sshll.u32 s6, $0x7  }
0xc: {  	_ =	strace $0x80000047;
	s9 =	sshrl.u32 s7, $0x1;
	s6 =	sor.u32 s6, s8  }
0xd: {  	v2 =	vlaneseq.u32;
	s7 =	ssub.s32 s7, s9;
	s8 =	sshrl.u32 s6, $0x3;
	s6 =	sshll.u32 s6, $0x5  }
0xe: {  	vm0 =	vmmov $0xffff;
	v1 =	vshrl.u32 v2, $0x3;
	s9 =	simm.s32 $0x880;
	s4 =	sadd.s32 s4, s8;
	s5 =	sadd.s32 s5, s6  }
0xf: {  	v0 =	vand.u32 $0x7, v2;
	v2 =	vor.u32 $0x8, v2;
	v1 =	vmul.u32 $0x8, v1;
	s6 =	smax.u32 s7, $0x1;
	s7 =	simm.s32 $0x2;
	s8 =	simm.s32 $0x80  }
.LBB2_1:
0x10: {  	[tilespmem:s3], [sflag:$0x2] =	stream.linear.gather [hbm4b:s4+s3], $0x80, $0x38;
	[tilespmem:$0x8080] =	vst v63  }
0x11: {  	_ =	swait.ge [sflag:s7], $0x80  }
0x12: {  	[sflag:s7] =	ssyncset.done $0x0  }
0x13: {  	[sflag:s7] =	ssyncadd.s32 $0xFFFFFF80  }
0x14: {  	v3 =	vld [tilespmem:$0x0];
	_ =	sdelay $0x4  }
0x15: {  	v4 =	vshll.u32 v3, $0x1  }
0x16: {  	v3 =	vand.u32 $0x7, v3;
	v4 =	vand.u32 $0xFFFFFFF0, v4  }
0x17: {  	v3 =	vor.u32 v3, v4  }
0x18: {  	v4 =	vperm.xlane v3, v0;
	_ =	sdelay $0x1  }
0x19: {  	v3 =	vperm.xlane v3, v2;
	v4 =	vadd.s32 v1, v4;
	_ =	sdelay $0x1  }
0x1a: {  	v3 =	vadd.s32 v1, v3;
	_ =	sdelay $0x2  }
0x1b: {  	[tilespmem:s8], [sflag:$0x1] =	stream.indirect_vreg.gather [hbm4b:s1+s3], $0x80, v4, vm0, $0xb8;
	[tilespmem:$0x8080] =	vst v63  }
0x1c: {  	_ = 	snop  }
0x1d: {  	[tilespmem:s9], [sflag:$0x1] =	stream.indirect_vreg.gather [hbm4b:s1+s3], $0x80, v3, vm0, $0xb8;
	[tilespmem:$0x8080] =	vst v63  }
0x1e: {  	v3 =	vld [tilespmem:$0x10];
	_ =	sdelay $0x4  }
0x1f: {  	v57 =	vshll.u32 v3, $0x1  }
0x20: {  	v3 =	vand.u32 $0x7, v3;
	v4 =	vand.u32 $0xFFFFFFF0, v57  }
0x21: {  	v3 =	vor.u32 v3, v4  }
0x22: {  	v4 =	vperm.xlane v3, v0;
	_ =	sdelay $0x1  }
0x23: {  	v3 =	vperm.xlane v3, v2;
	v4 =	vadd.s32 v1, v4;
	_ =	sdelay $0x1  }
0x24: {  	v3 =	vadd.s32 v1, v3;
	_ =	sdelay $0x2  }
0x25: {  	[tilespmem:s10], [sflag:$0x1] =	stream.indirect_vreg.gather [hbm4b:s1+s3], $0x80, v4, vm0, $0xb8;
	[tilespmem:$0x8080] =	vst v63  }
0x26: {  	_ = 	snop  }
0x27: {  	[tilespmem:s11], [sflag:$0x1] =	stream.indirect_vreg.gather [hbm4b:s1+s3], $0x80, v3, vm0, $0xb8;
	[tilespmem:$0x8080] =	vst v63  }
0x28: {  	v3 =	vld [tilespmem:$0x20];
	_ =	sdelay $0x4  }
0x29: {  	v58 =	vshll.u32 v3, $0x1  }
0x2a: {  	v3 =	vand.u32 $0x7, v3;
	v4 =	vand.u32 $0xFFFFFFF0, v58  }
0x2b: {  	v3 =	vor.u32 v3, v4  }
0x2c: {  	v4 =	vperm.xlane v3, v0;
	_ =	sdelay $0x1  }
0x2d: {  	v3 =	vperm.xlane v3, v2;
	v4 =	vadd.s32 v1, v4;
	_ =	sdelay $0x1  }
0x2e: {  	v3 =	vadd.s32 v1, v3;
	_ =	sdelay $0x2  }
0x2f: {  	[tilespmem:s12], [sflag:$0x1] =	stream.indirect_vreg.gather [hbm4b:s1+s3], $0x80, v4, vm0, $0xb8;
	[tilespmem:$0x8080] =	vst v63  }
0x30: {  	_ = 	snop  }
0x31: {  	[tilespmem:s13], [sflag:$0x1] =	stream.indirect_vreg.gather [hbm4b:s1+s3], $0x80, v3, vm0, $0xb8;
	[tilespmem:$0x8080] =	vst v63  }
0x32: {  	v3 =	vld [tilespmem:$0x30];
	_ =	sdelay $0x4  }
0x33: {  	v59 =	vshll.u32 v3, $0x1  }
0x34: {  	v3 =	vand.u32 $0x7, v3;
	v4 =	vand.u32 $0xFFFFFFF0, v59  }
0x35: {  	v3 =	vor.u32 v3, v4  }
0x36: {  	v4 =	vperm.xlane v3, v0;
	_ =	sdelay $0x1  }
0x37: {  	v3 =	vperm.xlane v3, v2;
	v4 =	vadd.s32 v1, v4;
	_ =	sdelay $0x1  }
0x38: {  	v3 =	vadd.s32 v1, v3;
	_ =	sdelay $0x2  }
0x39: {  	[tilespmem:s14], [sflag:$0x1] =	stream.indirect_vreg.gather [hbm4b:s1+s3], $0x80, v4, vm0, $0xb8;
	[tilespmem:$0x8080] =	vst v63  }
0x3a: {  	_ = 	snop  }
0x3b: {  	[tilespmem:s15], [sflag:$0x1] =	stream.indirect_vreg.gather [hbm4b:s1+s3], $0x80, v3, vm0, $0xb8;
	[tilespmem:$0x8080] =	vst v63  }
0x3c: {  	v3 =	vld [tilespmem:$0x40];
	_ =	sdelay $0x4  }
0x3d: {  	v60 =	vshll.u32 v3, $0x1  }
0x3e: {  	v3 =	vand.u32 $0x7, v3;
	v4 =	vand.u32 $0xFFFFFFF0, v60  }
0x3f: {  	v3 =	vor.u32 v3, v4  }
0x40: {  	v4 =	vperm.xlane v3, v0;
	_ =	sdelay $0x1  }
0x41: {  	v3 =	vperm.xlane v3, v2;
	v4 =	vadd.s32 v1, v4;
	_ =	sdelay $0x1  }
0x42: {  	v3 =	vadd.s32 v1, v3;
	_ =	sdelay $0x2  }
0x43: {  	[tilespmem:s16], [sflag:$0x1] =	stream.indirect_vreg.gather [hbm4b:s1+s3], $0x80, v4, vm0, $0xb8;
	[tilespmem:$0x8080] =	vst v63  }
0x44: {  	_ = 	snop  }
0x45: {  	[tilespmem:s17], [sflag:$0x1] =	stream.indirect_vreg.gather [hbm4b:s1+s3], $0x80, v3, vm0, $0xb8;
	[tilespmem:$0x8080] =	vst v63  }
0x46: {  	v3 =	vld [tilespmem:$0x50];
	_ =	sdelay $0x4  }
0x47: {  	v61 =	vshll.u32 v3, $0x1  }
0x48: {  	v3 =	vand.u32 $0x7, v3;
	v4 =	vand.u32 $0xFFFFFFF0, v61  }
0x49: {  	v3 =	vor.u32 v3, v4  }
0x4a: {  	v4 =	vperm.xlane v3, v0;
	_ =	sdelay $0x1  }
0x4b: {  	v3 =	vperm.xlane v3, v2;
	v4 =	vadd.s32 v1, v4;
	_ =	sdelay $0x1  }
0x4c: {  	v3 =	vadd.s32 v1, v3;
	_ =	sdelay $0x2  }
0x4d: {  	[tilespmem:s18], [sflag:$0x1] =	stream.indirect_vreg.gather [hbm4b:s1+s3], $0x80, v4, vm0, $0xb8;
	[tilespmem:$0x8080] =	vst v63  }
0x4e: {  	_ = 	snop  }
0x4f: {  	[tilespmem:s19], [sflag:$0x1] =	stream.indirect_vreg.gather [hbm4b:s1+s3], $0x80, v3, vm0, $0xb8;
	[tilespmem:$0x8080] =	vst v63  }
0x50: {  	v3 =	vld [tilespmem:$0x60];
	_ =	sdelay $0x4  }
0x51: {  	v62 =	vshll.u32 v3, $0x1  }
0x52: {  	v3 =	vand.u32 $0x7, v3;
	v4 =	vand.u32 $0xFFFFFFF0, v62  }
0x53: {  	v3 =	vor.u32 v3, v4  }
0x54: {  	v4 =	vperm.xlane v3, v0;
	_ =	sdelay $0x1  }
0x55: {  	v3 =	vperm.xlane v3, v2;
	v4 =	vadd.s32 v1, v4;
	_ =	sdelay $0x1  }
0x56: {  	v3 =	vadd.s32 v1, v3;
	_ =	sdelay $0x2  }
0x57: {  	[tilespmem:s20], [sflag:$0x1] =	stream.indirect_vreg.gather [hbm4b:s1+s3], $0x80, v4, vm0, $0xb8;
	[tilespmem:$0x8080] =	vst v63  }
0x58: {  	_ = 	snop  }
0x59: {  	[tilespmem:s21], [sflag:$0x1] =	stream.indirect_vreg.gather [hbm4b:s1+s3], $0x80, v3, vm0, $0xb8;
	[tilespmem:$0x8080] =	vst v63  }
0x5a: {  	v3 =	vld [tilespmem:$0x70];
	_ =	sdelay $0x4  }
0x5b: {  	v63 =	vshll.u32 v3, $0x1  }
0x5c: {  	v3 =	vand.u32 $0x7, v3;
	v4 =	vand.u32 $0xFFFFFFF0, v63  }
0x5d: {  	v3 =	vor.u32 v3, v4  }
0x5e: {  	v4 =	vperm.xlane v3, v0;
	_ =	sdelay $0x1  }
0x5f: {  	v3 =	vperm.xlane v3, v2;
	v4 =	vadd.s32 v1, v4;
	_ =	sdelay $0x1  }
0x60: {  	v3 =	vadd.s32 v1, v3;
	_ =	sdelay $0x2  }
0x61: {  	[tilespmem:s22], [sflag:$0x1] =	stream.indirect_vreg.gather [hbm4b:s1+s3], $0x80, v4, vm0, $0xb8;
	[tilespmem:$0x8080] =	vst v63  }
0x62: {  	_ = 	snop  }
0x63: {  	[tilespmem:s23], [sflag:$0x1] =	stream.indirect_vreg.gather [hbm4b:s1+s3], $0x80, v3, vm0, $0xb8;
	[tilespmem:$0x8080] =	vst v63  }
0x64: {  	_ =	swait.ge [sflag:s24], $0x8000  }
0x65: {  	p0 =	sne.s32 s6, $0x1;
	[sflag:s24] =	ssyncset.done $0x0  }
.Ltmp0:
0x66: {  	[sflag:s24] =	ssyncadd.s32 $0xFFFF8000;
	(pc) =	sbr.rel @p0 .LBB2_1-.Ltmp0, $4  }
0x67: {  	[hbm4b:s5+s3] =	stream.linear.scatter [tilespmem:s8], [sflag:$0x2], $0x8000, $0x38;
	[tilespmem:$0x8080] =	vst v63  }
0x68: {  	_ =	swait.ge [sflag:s7], $0x8000  }
0x69: {  	[sflag:s7] =	ssyncset.done $0x0  }
0x6a: {  	s6 =	sadd.s32 $0xFFFFFFFF, s6;
	[sflag:s7] =	ssyncadd.s32 $0xFFFF8000  }
0x6b: {  	_ =	sfence.sel $0x180000  }
0x6c: {  	[bflag:$0x0] =	sbarrier.arrive $0xFFFF  }
0x6d: {  	p0 =	sne.s32 s2, $0x0;
	_ =	strace $0x90000047  }
0x6e: {  	s0 =	sadd.s32 @!p0 $0x100000, s0;
	[bflag:$0x2] =	sbarrier.arrive $0xFFFF  }
0x6f: {  	[sflag:s0] =	ssyncadd.tile.s32 @!p0 $0x1;
	_ =	shalt  }
.Lfunc_end2:
_tile_overlayer_lowered:
.L_overlay_start_2:
0x70: {  	(tag) =	ssettag $0x2  }
0x71: {  	s0 =	rddreg [dreg:$0x0];
	s2 =	stileid.u32  }
0x72: {  	s1 =	rddreg [dreg:$0x1];
	p0 =	sne.s32 s2, $0x0  }
0x73: {  	s3 =	rddreg [dreg:$0x2];
	[bflag:$0x3] =	sbarrier.arrive $0xFFFF;
	s2 =	simm.s32 @!p0 $0x1C02  }
0x74: {  	[timem:s3], [sflag:s2] =	dma.local @!p0 [hbm:s0], s1  }
0x75: {  	s0 =	simm.s32 @!p0 $0x2  }
0x76: {  	_ =	swait.ge @!p0 [sflag:s0], s1  }
0x77: {  	s1 =	ssub.s32 @!p0 $0x0, s1;
	[sflag:s0] =	ssyncset.done @!p0 $0x0  }
0x78: {  	[sflag:s0] =	ssyncadd.s32 @!p0 s1  }
0x79: {  	[bflag:$0x3] =	sbarrier.arrive $0xFFFF  }
0x7a: {  	_ =	shalt  }

</sc_bundles>
